<compile_context>
chip_gen: v7x
topology: tpu7x:2x2x1
jax: 0.10.2.dev20260603
libtpu: 0.0.44.dev20260713+nightly
codegen_flags: <defaults>
</compile_context>

<pallas_src>
import functools

import jax
import jax.numpy as jnp
from jax import lax
from jax.experimental import pallas as pl
from jax.experimental.pallas import tpu as pltpu
from jax.experimental.pallas import tpu_sc as plsc

_N, _D = 65536, 512
_BLOCK_ROWS = 4096
_SC_ROWS = 16384
_CHUNK = 64
_NW = 32

_LN2 = 0.6931471805599453


def _yj_body(x_ref, lm_ref, o_ref):
    x = x_ref[...]
    lm = lm_ref[...]
    p1 = lm
    p2 = 2.0 - lm
    q1 = jnp.where(lm == 0.0, _LN2, 1.0 / jnp.where(lm == 0.0, 1.0, lm))
    q2 = jnp.where(lm == 2.0, -_LN2, -1.0 / jnp.where(lm == 2.0, 1.0, p2))
    pos = x >= 0.0
    t2 = jnp.log2(1.0 + jnp.abs(x))
    c = jnp.where(pos, p1, p2)
    em1 = jnp.exp2(c * t2) - 1.0
    a = jnp.where(c == 0.0, t2, em1)
    m = jnp.where(pos, q1, q2)
    o_ref[...] = a * m


def _tc_call(x, lm2, n_rows, row_off):
    grid = (n_rows // _BLOCK_ROWS,)
    off = row_off // _BLOCK_ROWS
    return pl.pallas_call(
        _yj_body,
        grid=grid,
        in_specs=[
            pl.BlockSpec((_BLOCK_ROWS, _D), lambda i: (i + off, 0)),
            pl.BlockSpec((1, _D), lambda i: (0, 0)),
        ],
        out_specs=pl.BlockSpec((_BLOCK_ROWS, _D), lambda i: (i, 0)),
        out_shape=jax.ShapeDtypeStruct((n_rows, _D), x.dtype),
    )(x, lm2)


def _sc_copy_body(x_hbm, o_hbm, buf):
    wid = lax.axis_index("s") * 2 + lax.axis_index("c")
    rpw = _SC_ROWS // _NW
    base = wid * rpw

    def body(i, carry):
        r0 = base + i * _CHUNK
        pltpu.sync_copy(x_hbm.at[pl.ds(r0, _CHUNK)], buf)
        pltpu.sync_copy(buf, o_hbm.at[pl.ds(r0, _CHUNK)])
        return carry

    lax.fori_loop(0, rpw // _CHUNK, body, 0)


def _sc_call(x):
    mesh = plsc.VectorSubcoreMesh(core_axis_name="c", subcore_axis_name="s")
    f = functools.partial(
        pl.kernel,
        mesh=mesh,
        out_type=jax.ShapeDtypeStruct((_SC_ROWS, _D), jnp.float32),
        scratch_types=[pltpu.VMEM((_CHUNK, _D), jnp.float32)],
    )(_sc_copy_body)
    return f(x)


def kernel(x, lmbda):
    n, d = x.shape
    lm2 = lmbda.reshape(1, d)
    sc_out = _sc_call(x)
    tc_out = _tc_call(x, lm2, n - _SC_ROWS, _SC_ROWS)
    return jnp.concatenate([sc_out, tc_out], axis=0)

# --- scband reference (transcript-rebuilt; emitter-appended) ---
"""Pipeline reference for scband-yeo-johnson-62053687493093 (READ-ONLY COPY).

The authoritative reference and input builder live on the scoring server;
editing this copy changes nothing except your own understanding.
"""

import jax, jax.numpy as jnp
import numpy as np

N, D = 65536, 512


def setup_inputs(seed: int = 0) -> dict:
    key = jax.random.key(seed)
    kx, kl = jax.random.split(key)
    x = jax.random.normal(kx, (N, D), dtype=jnp.float32)
    # fitted per-feature lambda parameter (YeoJohnson.lmbda); force a few exact
    # 0.0 / 2.0 entries so all four branches of the transform are exercised
    lmbda = jax.random.uniform(kl, (D,), dtype=jnp.float32, minval=-1.0, maxval=3.0)
    lmbda = lmbda.at[0].set(0.0).at[1].set(2.0)
    return {"x": x, "lmbda": lmbda}


def reference(x, lmbda):
    # Faithful Yeo-Johnson transform. The torch code routes the four cases via
    # masked flat scatter_ writes into a zero buffer; the result is exactly the
    # element-wise piecewise function below (each flat position is written by
    # exactly one of the four scatters), expressed with branch-safe jnp.where
    # so it is jit/vjp-safe.
    lm = jnp.broadcast_to(lmbda, x.shape)
    pos = x >= 0
    lmzro = lm == 0.0
    lmtwo = lm == 2.0
    xp = jnp.where(pos, x, 0.0)   # x restricted to the pos branch (>= 0)
    xn = jnp.where(pos, 0.0, x)   # x restricted to the neg branch (< 0)
    lm_safe = jnp.where(lmzro, 1.0, lm)
    two_ml = 2.0 - lm
    two_ml_safe = jnp.where(lmtwo, 1.0, two_ml)
    pos_zero = jnp.log1p(xp)
    pos_gen = ((xp + 1.0) ** lm_safe - 1.0) / lm_safe
    neg_two = -jnp.log1p(-xn)
    neg_gen = -(((-xn + 1.0) ** two_ml_safe) - 1.0) / two_ml_safe
    out = jnp.where(pos,
                    jnp.where(lmzro, pos_zero, pos_gen),
                    jnp.where(lmtwo, neg_two, neg_gen))
    return out

if __name__ == "__main__":
    import jax
    _d = setup_inputs()
    print(jax.jit(kernel)(*tuple(_d.values())))

</pallas_src>

<mosaic_0001>
#map = affine_map<(d0, d1) -> (0, 0)>
module attributes {stable_mosaic.version = 14 : i64} {
  func.func @_sc_copy_body(%arg0: i32, %arg1: i32, %arg2: memref<65536x512xf32, #tpu.memory_space<hbm>>, %arg3: memref<16384x512xf32, #tpu.memory_space<hbm>>, %arg4: memref<64x512xf32, #tpu.memory_space<vmem>>) attributes {dimension_semantics = [#tpu.dimension_semantics<core_parallel>, #tpu.dimension_semantics<subcore_parallel>], iteration_bounds = array<i64: 2, 16>, scalar_prefetch = 0 : i64, scratch_operands = 1 : i64, tpu.core_type = #tpu.core_type<sc_vector_subcore>, window_params = [{transform_indices = #map}, {transform_indices = #map}]} {
    %mul3A = arith.constant 2 : i32
    %mul3A_0 = arith.muli %arg1, %mul3A : i32
    %add3A = arith.addi %mul3A_0, %arg0 : i32
    %mul3A_1 = arith.constant 512 : i32
    %mul3A_2 = arith.muli %add3A, %mul3A_1 : i32
    %scan3A = arith.constant 0 : i32
    %scan3A_3 = arith.constant 0 : i32
    %scan3A_4 = arith.constant 8 : i32
    %scan3A_5 = arith.addi %scan3A_3, %scan3A_4 : i32
    %scan3A_6 = arith.constant 1 : i32
    scf.for %scan3A_8 = %scan3A_3 to %scan3A_5 step %scan3A_6  : i32 {
      %mul3A_9 = arith.constant 64 : i32
      %mul3A_10 = arith.muli %scan3A_8, %mul3A_9 : i32
      %add3A_11 = arith.addi %mul3A_2, %mul3A_10 : i32
      "tpu.region"() ({
        %run_scoped3A = tpu.sem_alloc : memref<!tpu.dma_semaphore, #tpu.memory_space<semaphore_mem>>
        %dma_start3A = arith.constant 0 : i32
        %dma_start3A_12 = tpu.memref_slice %arg2[%add3A_11, %dma_start3A] : memref<65536x512xf32, #tpu.memory_space<hbm>> -> memref<64x512xf32, #tpu.memory_space<hbm>>
        %dma_start3A_13 = arith.constant 0 : i32
        %dma_start3A_14 = tpu.memref_slice %arg2[%add3A_11, %dma_start3A_13] : memref<65536x512xf32, #tpu.memory_space<hbm>> -> memref<64x512xf32, #tpu.memory_space<hbm>>
        tpu.enqueue_dma source(%dma_start3A_14 : memref<64x512xf32, #tpu.memory_space<hbm>>) target(%arg4 : memref<64x512xf32, #tpu.memory_space<vmem>>) target_semaphore(%run_scoped3A : memref<!tpu.dma_semaphore, #tpu.memory_space<semaphore_mem>>)
        %dma_wait3A = arith.constant 0 : i32
        %dma_wait3A_15 = tpu.memref_slice %arg2[%add3A_11, %dma_wait3A] : memref<65536x512xf32, #tpu.memory_space<hbm>> -> memref<64x512xf32, #tpu.memory_space<hbm>>
        %dma_wait3A_16 = arith.constant 0 : i32
        %dma_wait3A_17 = tpu.memref_slice %arg2[%add3A_11, %dma_wait3A_16] : memref<65536x512xf32, #tpu.memory_space<hbm>> -> memref<64x512xf32, #tpu.memory_space<hbm>>
        tpu.wait_dma2 semaphore(%run_scoped3A : memref<!tpu.dma_semaphore, #tpu.memory_space<semaphore_mem>>) src(%dma_wait3A_17 : memref<64x512xf32, #tpu.memory_space<hbm>>) dst(%arg4 : memref<64x512xf32, #tpu.memory_space<vmem>>)
        tpu.yield
      }) : () -> ()
      "tpu.region"() ({
        %run_scoped3A = tpu.sem_alloc : memref<!tpu.dma_semaphore, #tpu.memory_space<semaphore_mem>>
        %dma_start3A = arith.constant 0 : i32
        %dma_start3A_12 = tpu.memref_slice %arg3[%add3A_11, %dma_start3A] : memref<16384x512xf32, #tpu.memory_space<hbm>> -> memref<64x512xf32, #tpu.memory_space<hbm>>
        %dma_start3A_13 = arith.constant 0 : i32
        %dma_start3A_14 = tpu.memref_slice %arg3[%add3A_11, %dma_start3A_13] : memref<16384x512xf32, #tpu.memory_space<hbm>> -> memref<64x512xf32, #tpu.memory_space<hbm>>
        tpu.enqueue_dma source(%arg4 : memref<64x512xf32, #tpu.memory_space<vmem>>) target(%dma_start3A_14 : memref<64x512xf32, #tpu.memory_space<hbm>>) target_semaphore(%run_scoped3A : memref<!tpu.dma_semaphore, #tpu.memory_space<semaphore_mem>>)
        %dma_wait3A = arith.constant 0 : i32
        %dma_wait3A_15 = tpu.memref_slice %arg3[%add3A_11, %dma_wait3A] : memref<16384x512xf32, #tpu.memory_space<hbm>> -> memref<64x512xf32, #tpu.memory_space<hbm>>
        %dma_wait3A_16 = arith.constant 0 : i32
        %dma_wait3A_17 = tpu.memref_slice %arg3[%add3A_11, %dma_wait3A_16] : memref<16384x512xf32, #tpu.memory_space<hbm>> -> memref<64x512xf32, #tpu.memory_space<hbm>>
        tpu.wait_dma2 semaphore(%run_scoped3A : memref<!tpu.dma_semaphore, #tpu.memory_space<semaphore_mem>>) src(%arg4 : memref<64x512xf32, #tpu.memory_space<vmem>>) dst(%dma_wait3A_17 : memref<64x512xf32, #tpu.memory_space<hbm>>)
        tpu.yield
      }) : () -> ()
    }
    %scan3A_7 = arith.constant 8 : i32
    return
  }
}

module attributes {stable_mosaic.version = 14 : i64} {
  func.func @_yj_body(%arg0: i32, %arg1: memref<4096x512xf32, #tpu.memory_space<vmem>>, %arg2: memref<1x512xf32, #tpu.memory_space<vmem>>, %arg3: memref<4096x512xf32, #tpu.memory_space<vmem>>) attributes {dimension_semantics = [#tpu.dimension_semantics<arbitrary>], iteration_bounds = array<i64: 12>, scalar_prefetch = 0 : i64, scratch_operands = 0 : i64, tpu.core_type = #tpu.core_type<tc>, window_params = [{transform_indices = @transform_0, window_bounds = array<i64: 4096, 512>}, {pipeline_mode = #tpu.pipeline_mode<synchronous>, transform_indices = @transform_1, window_bounds = array<i64: 1, 512>}, {transform_indices = @transform_2, window_bounds = array<i64: 4096, 512>}]} {
    %get3A = arith.constant 0 : index
    %get3A_0 = arith.constant 0 : index
    %get3A_1 = vector.load %arg1[%get3A, %get3A_0] : memref<4096x512xf32, #tpu.memory_space<vmem>>, vector<4096x512xf32>
    %get3A_2 = arith.constant 0 : index
    %get3A_3 = arith.constant 0 : index
    %get3A_4 = vector.load %arg2[%get3A_2, %get3A_3] : memref<1x512xf32, #tpu.memory_space<vmem>>, vector<1x512xf32>
    %sub3A = arith.constant 2.000000e+00 : f32
    %sub3A_5 = vector.broadcast %sub3A : f32 to vector<1x512xf32>
    %sub3A_6 = arith.subf %sub3A_5, %get3A_4 : vector<1x512xf32>
    %eq3A = arith.constant 0.000000e+00 : f32
    %eq3A_7 = vector.broadcast %eq3A : f32 to vector<1x512xf32>
    %eq3A_8 = arith.cmpf oeq, %get3A_4, %eq3A_7 : vector<1x512xf32>
    %eq3A_9 = arith.constant 0.000000e+00 : f32
    %eq3A_10 = vector.broadcast %eq3A_9 : f32 to vector<1x512xf32>
    %eq3A_11 = arith.cmpf oeq, %get3A_4, %eq3A_10 : vector<1x512xf32>
    %jit3A = arith.constant 1.000000e+00 : f32
    %broadcast_in_dim3A = vector.broadcast %jit3A : f32 to vector<1x512xf32>
    %select_n3A = arith.select %eq3A_11, %broadcast_in_dim3A, %get3A_4 : vector<1x512xi1>, vector<1x512xf32>
    %div3A = arith.constant 1.000000e+00 : f32
    %div3A_12 = vector.broadcast %div3A : f32 to vector<1x512xf32>
    %div3A_13 = arith.divf %div3A_12, %select_n3A : vector<1x512xf32>
    %jit3A_14 = arith.constant 0.693147182 : f32
    %broadcast_in_dim3A_15 = vector.broadcast %jit3A_14 : f32 to vector<1x512xf32>
    %select_n3A_16 = arith.select %eq3A_8, %broadcast_in_dim3A_15, %div3A_13 : vector<1x512xi1>, vector<1x512xf32>
    %eq3A_17 = arith.constant 2.000000e+00 : f32
    %eq3A_18 = vector.broadcast %eq3A_17 : f32 to vector<1x512xf32>
    %eq3A_19 = arith.cmpf oeq, %get3A_4, %eq3A_18 : vector<1x512xf32>
    %eq3A_20 = arith.constant 2.000000e+00 : f32
    %eq3A_21 = vector.broadcast %eq3A_20 : f32 to vector<1x512xf32>
    %eq3A_22 = arith.cmpf oeq, %get3A_4, %eq3A_21 : vector<1x512xf32>
    %jit3A_23 = arith.constant 1.000000e+00 : f32
    %broadcast_in_dim3A_24 = vector.broadcast %jit3A_23 : f32 to vector<1x512xf32>
    %select_n3A_25 = arith.select %eq3A_22, %broadcast_in_dim3A_24, %sub3A_6 : vector<1x512xi1>, vector<1x512xf32>
    %div3A_26 = arith.constant -1.000000e+00 : f32
    %div3A_27 = vector.broadcast %div3A_26 : f32 to vector<1x512xf32>
    %div3A_28 = arith.divf %div3A_27, %select_n3A_25 : vector<1x512xf32>
    %jit3A_29 = arith.constant -0.693147182 : f32
    %broadcast_in_dim3A_30 = vector.broadcast %jit3A_29 : f32 to vector<1x512xf32>
    %select_n3A_31 = arith.select %eq3A_19, %broadcast_in_dim3A_30, %div3A_28 : vector<1x512xi1>, vector<1x512xf32>
    %ge3A = arith.constant 0.000000e+00 : f32
    %ge3A_32 = vector.broadcast %ge3A : f32 to vector<4096x512xf32>
    %ge3A_33 = arith.cmpf oge, %get3A_1, %ge3A_32 : vector<4096x512xf32>
    %abs3A = math.absf %get3A_1 : vector<4096x512xf32>
    %add3A = arith.constant 1.000000e+00 : f32
    %add3A_34 = vector.broadcast %add3A : f32 to vector<4096x512xf32>
    %add3A_35 = arith.addf %add3A_34, %abs3A : vector<4096x512xf32>
    %log3A = math.log %add3A_35 : vector<4096x512xf32>
    %log3A_36 = arith.constant 2.000000e+00 : f32
    %log3A_37 = math.log %log3A_36 : f32
    %div3A_38 = vector.broadcast %log3A_37 : f32 to vector<4096x512xf32>
    %div3A_39 = arith.divf %log3A, %div3A_38 : vector<4096x512xf32>
    %broadcast_in_dim3A_40 = vector.shape_cast %get3A_4 : vector<1x512xf32> to vector<1x512xf32>
    %broadcast_in_dim3A_41 = vector.broadcast %broadcast_in_dim3A_40 : vector<1x512xf32> to vector<4096x512xf32>
    %broadcast_in_dim3A_42 = vector.shape_cast %sub3A_6 : vector<1x512xf32> to vector<1x512xf32>
    %broadcast_in_dim3A_43 = vector.broadcast %broadcast_in_dim3A_42 : vector<1x512xf32> to vector<4096x512xf32>
    %select_n3A_44 = arith.select %ge3A_33, %broadcast_in_dim3A_41, %broadcast_in_dim3A_43 : vector<4096x512xi1>, vector<4096x512xf32>
    %mul3A = arith.mulf %select_n3A_44, %div3A_39 : vector<4096x512xf32>
    %exp23A = math.exp2 %mul3A : vector<4096x512xf32>
    %sub3A_45 = arith.constant 1.000000e+00 : f32
    %sub3A_46 = vector.broadcast %sub3A_45 : f32 to vector<4096x512xf32>
    %sub3A_47 = arith.subf %exp23A, %sub3A_46 : vector<4096x512xf32>
    %eq3A_48 = arith.constant 0.000000e+00 : f32
    %eq3A_49 = vector.broadcast %eq3A_48 : f32 to vector<4096x512xf32>
    %eq3A_50 = arith.cmpf oeq, %select_n3A_44, %eq3A_49 : vector<4096x512xf32>
    %select_n3A_51 = arith.select %eq3A_50, %div3A_39, %sub3A_47 : vector<4096x512xi1>, vector<4096x512xf32>
    %broadcast_in_dim3A_52 = vector.shape_cast %select_n3A_16 : vector<1x512xf32> to vector<1x512xf32>
    %broadcast_in_dim3A_53 = vector.broadcast %broadcast_in_dim3A_52 : vector<1x512xf32> to vector<4096x512xf32>
    %broadcast_in_dim3A_54 = vector.shape_cast %select_n3A_31 : vector<1x512xf32> to vector<1x512xf32>
    %broadcast_in_dim3A_55 = vector.broadcast %broadcast_in_dim3A_54 : vector<1x512xf32> to vector<4096x512xf32>
    %select_n3A_56 = arith.select %ge3A_33, %broadcast_in_dim3A_53, %broadcast_in_dim3A_55 : vector<4096x512xi1>, vector<4096x512xf32>
    %mul3A_57 = arith.mulf %select_n3A_51, %select_n3A_56 : vector<4096x512xf32>
    %swap3A = arith.constant 0 : index
    %swap3A_58 = arith.constant 0 : index
    %swap3A_59 = vector.load %arg3[%swap3A, %swap3A_58] : memref<4096x512xf32, #tpu.memory_space<vmem>>, vector<4096x512xf32>
    tpu.vector_store %arg3[%swap3A, %swap3A_58], %mul3A_57 {strides = array<i32>} : memref<4096x512xf32, #tpu.memory_space<vmem>>, vector<4096x512xf32>,
    return
  }
  func.func @transform_0(%arg0: i32) -> (i32, i32) {
    %add3A = arith.constant 4 : i32
    %add3A_0 = arith.addi %arg0, %add3A : i32
    %c0_i32 = arith.constant 0 : i32
    %c0_i32_1 = arith.constant 0 : i32
    return %add3A_0, %c0_i32 : i32, i32
  }
  func.func @transform_1(%arg0: i32) -> (i32, i32) {
    %c0_i32 = arith.constant 0 : i32
    %c0_i32_0 = arith.constant 0 : i32
    %c0_i32_1 = arith.constant 0 : i32
    return %c0_i32, %c0_i32_0 : i32, i32
  }
  func.func @transform_2(%arg0: i32) -> (i32, i32) {
    %c0_i32 = arith.constant 0 : i32
    %c0_i32_0 = arith.constant 0 : i32
    return %arg0, %c0_i32 : i32, i32
  }
}

</mosaic_0001>

<sc_bundles>
// kernel: kernel.4.cloned.1.call-start
scs
__scs_entry_jumppad:
0x0: {  	(pc) =	sbr.rel $0x88, $3  }
0x1: {  	(tag) =	ssettag $0x0;
	lr =	simm.s32 $0x1  }
0x2: {  	[smem:$0x3F9F] =	sst lr;
	_ =	strace $0xD0000000  }
0x3: {  	_ = 	snop  }
0x4: {  	_ = 	snop  }
0x5: {  	_ = 	snop  }
0x6: {  	_ = 	snop  }
0x7: {  	_ = 	snop  }
__scs_overlays_trampoline_lowered:
0x8: {  	[smem:$0x3FAE] =	sst s0  }
0x9: {  	[smem:$0x3FAF] =	sst s1  }
0xa: {  	[smem:$0x3FB0] =	sst s2  }
0xb: {  	[smem:$0x3FB1] =	sst s3  }
0xc: {  	[smem:$0x3FB2] =	sst s4  }
0xd: {  	[smem:$0x3FB3] =	sst s5  }
0xe: {  	[smem:$0x3FB4] =	sst s6  }
0xf: {  	[smem:$0x3FB5] =	sst s7  }
0x10: {  	[smem:$0x3FB6] =	sst s8  }
0x11: {  	[smem:$0x3FB7] =	sst s9;
	s0 =	simm.s32 @!p0 $0x0  }
0x12: {  	s1 =	sld [smem:$0x3F9D];
	s0 =	simm.s32 @p0 $0x1  }
0x13: {  	[smem:$0x3FB8] =	sst s0;
	s0 =	simm.s32 @!p1 $0x0  }
0x14: {  	s2 =	sld [smem:$0x3F9C];
	s0 =	simm.s32 @p1 $0x1  }
0x15: {  	[smem:$0x3FB9] =	sst s0;
	s0 =	simm.s32 @!p2 $0x0  }
0x16: {  	s3 =	sld [smem:$0x3FDB];
	s0 =	simm.s32 @p2 $0x1  }
0x17: {  	s4 =	simm.s32 $0x1BF5;
	[smem:$0x3FBB] =	sst s0  }
0x18: {  	s0 =	sld [smem:$0x3F9E];
	_ =	swait.ge [sflag:s4], $0x0  }
0x19: {  	s7 =	sld [smem:$0x3F9F]  }
0x1a: {  	s8 =	sadd.s32 $0xFFFFE003, lr  }
0x1b: {  	s9 =	sadd.s32 $0xFFFFFEF7, lr;
	s5 =	simm.s32 $0xFFFFFFFF;
	p2 =	slt.u32 s8, $0xFFFFF086  }
0x1c: {  	p1 =	slt.u32 s9, $0xF7A;
	s5 =	simm.s32 @!p2 $0x0  }
0x1d: {  	s5 =	simm.s32 @p1 $0x1;
	p0 =	seq.s32 s7, s2  }
0x1e: {  	s7 =	smul.u32 @!p0 $0xF7A, s2;
	p2 =	seq.s32 @!p0 s5, $0x0  }
0x1f: {  	s9 =	smul.u32 $0xF7A, s1;
	s8 =	simm.s32 @!p0 $0x1BF5;
	p2 =	por !p2, p0  }
0x20: {  	[sflag:s8] =	ssyncset.s32 @!p0 $0xFFFFF086;
	s6 =	sadd.s32 @!p0 s3, s7;
	s7 =	simm.s32 @!p0 $0x108  }
0x21: {  	s3 =	sadd.s32 s3, s9;
	s6 =	sadd.s32 @!p0 $0x88, s6;
	s7 =	simm.s32 @p2 $0x1082  }
0x22: {  	[simem:s7], [sflag:s8] =	dma.local @!p0 [hbm:s6], $0xF7A  }
0x23: {  	s9 =	sor.u32 $0xD0000000, s2;
	s6 =	simm.s32 $0x108;
	_ =	swait.ge @!p0 [sflag:s8], $0x0  }
0x24: {  	s3 =	sadd.s32 $0x88, s3;
	s6 =	simm.s32 @!p1 $0x1082;
	[sflag:s4] =	ssyncset.s32 $0xFFFFF086  }
0x25: {  	[simem:s6], [sflag:s4] =	dma.local [hbm:s3], $0xF7A  }
0x26: {  	[smem:$0x3F9F] =	sst s1;
	(tag) =	ssettag s2;
	_ =	strace s9  }
0x27: {  	s1 =	sld [smem:$0x3FAF]  }
0x28: {  	s2 =	sld [smem:$0x3FB0]  }
0x29: {  	s4 =	sld [smem:$0x3FB2]  }
0x2a: {  	p0 =	seq.s32 s5, $0x0;
	s5 =	sld [smem:$0x3FB3]  }
0x2b: {  	s6 =	sld [smem:$0x3FB4]  }
0x2c: {  	s7 =	sld [smem:$0x3FB5]  }
0x2d: {  	s3 =	simm.s32 $0x108;
	s8 =	sld [smem:$0x3FB6]  }
0x2e: {  	s3 =	simm.s32 @!p0 $0x1082;
	s9 =	sld [smem:$0x3FB7]  }
0x2f: {  	lr =	sadd.s32 s0, s3;
	s0 =	sld [smem:$0x3FAE]  }
0x30: {  	s3 =	sld [smem:$0x3FB1]  }
0x31: {  	[smem:$0x3FBA] =	sst s10  }
0x32: {  	s10 =	sld [smem:$0x3FB8];
	_ =	sdelay $0x3  }
0x33: {  	p0 =	seq.s32 s10, $0x1;
	s10 =	sld [smem:$0x3FBA];
	_ =	sdelay $0x3  }
0x34: {  	[smem:$0x3FBA] =	sst s10  }
0x35: {  	s10 =	sld [smem:$0x3FB9];
	_ =	sdelay $0x3  }
0x36: {  	p1 =	seq.s32 s10, $0x1;
	s10 =	sld [smem:$0x3FBA];
	_ =	sdelay $0x3  }
0x37: {  	[smem:$0x3FBA] =	sst s10  }
0x38: {  	s10 =	sld [smem:$0x3FBB]  }
0x39: {  	_ = 	snop;
	(pc) =	sbr.ind lr, $3  }
0x3a: {  	_ = 	snop  }
0x3b: {  	_ = 	snop  }
0x3c: {  	p2 =	seq.s32 s10, $0x1;
	s10 =	sld [smem:$0x3FBA]  }
0x3d: {  	_ =	shalt  }
0x3e: {  	_ =	shalt  }
0x3f: {  	_ =	shalt  }
0x40: {  	_ =	shalt  }
0x41: {  	_ =	shalt  }
0x42: {  	_ =	shalt  }
0x43: {  	_ =	shalt  }
0x44: {  	_ =	shalt  }
0x45: {  	_ =	shalt  }
0x46: {  	_ =	shalt  }
0x47: {  	_ =	shalt  }
0x48: {  	_ =	shalt  }
0x49: {  	_ =	shalt  }
0x4a: {  	_ =	shalt  }
0x4b: {  	_ =	shalt  }
0x4c: {  	_ =	shalt  }
0x4d: {  	_ =	shalt  }
0x4e: {  	_ =	shalt  }
0x4f: {  	_ =	shalt  }
0x50: {  	_ =	shalt  }
0x51: {  	_ =	shalt  }
0x52: {  	_ =	shalt  }
0x53: {  	_ =	shalt  }
0x54: {  	_ =	shalt  }
0x55: {  	_ =	shalt  }
0x56: {  	_ =	shalt  }
0x57: {  	_ =	shalt  }
0x58: {  	_ =	shalt  }
0x59: {  	_ =	shalt  }
0x5a: {  	_ =	shalt  }
0x5b: {  	_ =	shalt  }
0x5c: {  	_ =	shalt  }
0x5d: {  	_ =	shalt  }
0x5e: {  	_ =	shalt  }
0x5f: {  	_ =	shalt  }
0x60: {  	_ =	shalt  }
0x61: {  	_ =	shalt  }
0x62: {  	_ =	shalt  }
0x63: {  	_ =	shalt  }
0x64: {  	_ =	shalt  }
0x65: {  	_ =	shalt  }
0x66: {  	_ =	shalt  }
0x67: {  	_ =	shalt  }
0x68: {  	_ =	shalt  }
0x69: {  	_ =	shalt  }
0x6a: {  	_ =	shalt  }
0x6b: {  	_ =	shalt  }
0x6c: {  	_ =	shalt  }
0x6d: {  	_ =	shalt  }
0x6e: {  	_ =	shalt  }
0x6f: {  	_ =	shalt  }
0x70: {  	_ =	shalt  }
0x71: {  	_ =	shalt  }
0x72: {  	_ =	shalt  }
0x73: {  	_ =	shalt  }
0x74: {  	_ =	shalt  }
0x75: {  	_ =	shalt  }
0x76: {  	_ =	shalt  }
0x77: {  	_ =	shalt  }
0x78: {  	_ =	shalt  }
0x79: {  	_ =	shalt  }
0x7a: {  	_ =	shalt  }
0x7b: {  	_ =	shalt  }
0x7c: {  	_ =	shalt  }
0x7d: {  	_ =	shalt  }
0x7e: {  	_ =	shalt  }
0x7f: {  	_ =	shalt  }
0x80: {  	_ =	shalt  }
0x81: {  	_ =	shalt  }
0x82: {  	_ =	shalt  }
0x83: {  	_ =	shalt  }
0x84: {  	_ =	shalt  }
0x85: {  	_ =	shalt  }
0x86: {  	_ =	shalt  }
0x87: {  	_ =	shalt  }
.Lfunc_end0:
.L_simem_size_0:
called_computation_lowered:
.L_overlay_start_0:
0x88: {  	s2 =	sld [smem:$0x3FD9]  }
0x89: {  	s3 =	sld [smem:$0x3FFE];
	_ =	sdelay $0x1  }
0x8a: {  	s1 =	srdreg.scid  }
0x8b: {  	s0 =	sand.u32 $0x1, s1  }
0x8c: {  	s17 =	sshll.u32 s0, $0xA;
	s2 =	sadd.s32 s3, s2  }
0x8d: {  	s2 =	sadd.s32 s2, s17  }
0x8e: {  	[smem:$0x3FC6] =	sst s2  }
0x8f: {  	_ = 	snop  }
0x90: {  	s2 =	sld [smem:$0x3FC9];
	(tm) =	ssettm $0x1  }
0x91: {  	s18 =	sld [smem:$0x3FFB];
	_ =	sdelay $0x3  }
0x92: {  	_ =	strace s18  }
0x93: {  	s3 =	sld [smem:$0x3FFC];
	_ =	sdelay $0x3  }
0x94: {  	_ =	strace s3  }
0x95: {  	s3 =	sld [smem:$0x3FFD];
	_ =	sdelay $0x3  }
0x96: {  	_ =	strace s3  }
0x97: {  	_ =	strace $0x8FFFFFFF  }
0x98: {  	s19 =	sld [smem:$0x3FDB];
	_ =	sdelay $0x1  }
0x99: {  	s4 =	simm.s32 $_scs_section_size  }
0x9a: {  	s5 =	simm.s32 $_size__tile_overlayer_lowered;
	s6 =	simm.s32 $_tile_overlayer_lowered  }
0x9b: {  	s22 =	simm.s32 $0x1BFF;
	s21 =	sshll.u32 s6, $0x1;
	s3 =	sadd.s32 s4, s19  }
0x9c: {  	s7 =	simm.s32 $0x0;
	s20 =	sshll.u32 s5, $0x1;
	s5 =	sadd.s32 s21, s3  }
0x9d: {  	[timem:s7], [sflag:s22] =	dma.local [hbm:s5], s20  }
0x9e: {  	_ =	swait.ge [sflag:s22], s20  }
0x9f: {  	s4 =	ssub.s32 $0x0, s20;
	[sflag:s22] =	ssyncset.done $0x0  }
0xa0: {  	[sflag:s22] =	ssyncadd.s32 s4;
	_ =	sdelay $0x1  }
0xa1: {  	s23 =	simm.s32 $0x1B8B  }
0xa2: {  	_ =	swait.ge [sflag:s23], $0x1  }
0xa3: {  	[sflag:s23] =	ssyncset.done $0x0  }
0xa4: {  	s25 =	simm.s32 $0x1B8E;
	s24 =	sld [smem:$0x3FFE];
	[sflag:s23] =	ssyncadd.s32 $0xFFFFFFFF  }
0xa5: {  	s26 =	simm.s32 $execute0_lowered;
	[smem:$0x3FD2] =	sst s25  }
0xa6: {  	s5 =	sshll.u32 s26, $0x1;
	_ =	strace $0x80000046;
	[dreg:$0x1] =	wrdreg $0xFFFFFFFF  }
0xa7: {  	s28 =	simm.s32 $_size_execute0_lowered;
	s3 =	sadd.s32 s3, s5;
	[dreg:$0x0] =	wrdreg $0x0  }
0xa8: {  	s5 =	sshll.u32 s28, $0x1;
	[dreg:$0x2] =	wrdreg s3  }
0xa9: {  	[dreg:$0x3] =	wrdreg s5  }
0xaa: {  	[dreg:$0x4] =	wrdreg $0xC0  }
0xab: {  	_ =	task [dreg:s7], $0x5FFFF  }
0xac: {  	[dreg:$0x1] =	wrdreg $0xFFFFFFFF  }
0xad: {  	[dreg:$0x0] =	wrdreg $0x60  }
0xae: {  	[dreg:$0x2] =	wrdreg s2  }
0xaf: {  	[dreg:$0x3] =	wrdreg s24  }
0xb0: {  	[dreg:$0x4] =	wrdreg $0x9  }
0xb1: {  	_ =	task.clear_ibuf [dreg:s7], $0x5FFFF;
	_ =	strace $0x90000046  }
0xb2: {  	s29 =	simm.s32 $0x9;
	_ =	strace $0x80000048  }
0xb3: {  	_ =	swait.ge [sflag:s29], $0x1  }
0xb4: {  	[sflag:s29] =	ssyncadd.s32 $0xFFFFFFFF  }
0xb5: {  	_ =	strace $0x90000048  }
0xb6: {  	_ =	sfence  }
0xb7: {  	s30 =	sld [smem:$0x0];
	_ =	sdelay $0x2  }
0xb8: {  	s31 =	sshll.u32 s1, $0xD;
	s1 =	sshrl.u32 s1, $0x2  }
0xb9: {  	s3 =	sand.u32 $0x4000, s31;
	s1 =	sadd.s32 s1, s30  }
0xba: {  	s0 =	sor.u32 s3, s0;
	s1 =	sshll.u32 s1, $0x11  }
0xbb: {  	s0 =	sor.u32 s1, s0  }
0xbc: {  	s0 =	sadd.s32 $0x8F2B, s0  }
0xbd: {  	[sflag:s0] =	ssyncadd.remote.s32 $0x1  }
0xbe: {  	_ =	sfence.sel $0xFFFF  }
0xbf: {  	[dreg:$0x0] =	wrdreg $0xFFFFFFFF;
	(pc) =	sbr.abs _section_cstart, $3  }
0xc0: {  	[dreg:$0x1] =	wrdreg $0xFFFFFFFF  }
0xc1: {  	_ =	task.clear_ibuf [dreg:s7], $0x2FFFF;
	_ =	strace $0x9FFFFFFF  }
0xc2: {  	(tm) =	ssettm $0x7FFFFFFF  }
0xc3: {  	_ =	shalt  }
tec
execute0_lowered:
.L_overlay_start_1:
0x0: {  	(tag) =	ssettag $0x1  }
0x1: {  	s18 =	rddreg [dreg:$0x0]  }
0x2: {  	s5 =	rddreg [dreg:$0x1];
	s2 =	srdreg.scid  }
0x3: {  	s0 =	rddreg [dreg:$0x2];
	s1 =	stileid.u32;
	s19 =	sand.u32 $0x1, s2  }
0x4: {  	s2 =	simm.s32 $0x0;
	s3 =	sshll.u32 s1, $0x10;
	s4 =	sshll.u32 s19, $0xF  }
0x5: {  	[smem:$0x7FF] =	sst s2;
	s21 =	sor.u32 s4, s3  }
0x6: {  	_ =	strace $0x80000047;
	s3 =	simm.s32 $0x1;
	s4 =	sadd.s32 s18, s21  }
0x7: {  	[tilespmem:s2], [sflag:$0x1] =	stream.linear.gather [hbm4b:s4+s2], $0x8000, $0x38;
	[tilespmem:$0x8000] =	vst v63  }
0x8: {  	_ =	swait.ge [sflag:s3], $0x8000  }
0x9: {  	s20 =	sadd.s32 $0x600, s5;
	[sflag:s3] =	ssyncset.done $0x0  }
0xa: {  	s5 =	sadd.s32 s20, s21;
	[sflag:s3] =	ssyncadd.s32 $0xFFFF8000  }
0xb: {  	[hbm4b:s5+s2] =	stream.linear.scatter [tilespmem:s2], [sflag:$0x1], $0x8000, $0x38;
	[tilespmem:$0x8000] =	vst v63  }
0xc: {  	_ =	swait.ge [sflag:s3], $0x8000  }
0xd: {  	s7 =	sor.u32 $0x1000, s21;
	[sflag:s3] =	ssyncset.done $0x0  }
0xe: {  	s6 =	sadd.s32 s18, s7;
	[sflag:s3] =	ssyncadd.s32 $0xFFFF8000  }
0xf: {  	[tilespmem:s2], [sflag:$0x1] =	stream.linear.gather [hbm4b:s6+s2], $0x8000, $0x38;
	[tilespmem:$0x8000] =	vst v63  }
0x10: {  	_ =	swait.ge [sflag:s3], $0x8000  }
0x11: {  	[sflag:s3] =	ssyncset.done $0x0  }
0x12: {  	s7 =	sadd.s32 s20, s7;
	[sflag:s3] =	ssyncadd.s32 $0xFFFF8000  }
0x13: {  	[hbm4b:s7+s2] =	stream.linear.scatter [tilespmem:s2], [sflag:$0x1], $0x8000, $0x38;
	[tilespmem:$0x8000] =	vst v63  }
0x14: {  	_ =	swait.ge [sflag:s3], $0x8000  }
0x15: {  	s9 =	sor.u32 $0x2000, s21;
	[sflag:s3] =	ssyncset.done $0x0  }
0x16: {  	s8 =	sadd.s32 s18, s9;
	[sflag:s3] =	ssyncadd.s32 $0xFFFF8000  }
0x17: {  	[tilespmem:s2], [sflag:$0x1] =	stream.linear.gather [hbm4b:s8+s2], $0x8000, $0x38;
	[tilespmem:$0x8000] =	vst v63  }
0x18: {  	_ =	swait.ge [sflag:s3], $0x8000  }
0x19: {  	[sflag:s3] =	ssyncset.done $0x0  }
0x1a: {  	s9 =	sadd.s32 s20, s9;
	[sflag:s3] =	ssyncadd.s32 $0xFFFF8000  }
0x1b: {  	[hbm4b:s9+s2] =	stream.linear.scatter [tilespmem:s2], [sflag:$0x1], $0x8000, $0x38;
	[tilespmem:$0x8000] =	vst v63  }
0x1c: {  	_ =	swait.ge [sflag:s3], $0x8000  }
0x1d: {  	s11 =	sor.u32 $0x3000, s21;
	[sflag:s3] =	ssyncset.done $0x0  }
0x1e: {  	s10 =	sadd.s32 s18, s11;
	[sflag:s3] =	ssyncadd.s32 $0xFFFF8000  }
0x1f: {  	[tilespmem:s2], [sflag:$0x1] =	stream.linear.gather [hbm4b:s10+s2], $0x8000, $0x38;
	[tilespmem:$0x8000] =	vst v63  }
0x20: {  	_ =	swait.ge [sflag:s3], $0x8000  }
0x21: {  	[sflag:s3] =	ssyncset.done $0x0  }
0x22: {  	s11 =	sadd.s32 s20, s11;
	[sflag:s3] =	ssyncadd.s32 $0xFFFF8000  }
0x23: {  	[hbm4b:s11+s2] =	stream.linear.scatter [tilespmem:s2], [sflag:$0x1], $0x8000, $0x38;
	[tilespmem:$0x8000] =	vst v63  }
0x24: {  	_ =	swait.ge [sflag:s3], $0x8000  }
0x25: {  	s13 =	sor.u32 $0x4000, s21;
	[sflag:s3] =	ssyncset.done $0x0  }
0x26: {  	s12 =	sadd.s32 s18, s13;
	[sflag:s3] =	ssyncadd.s32 $0xFFFF8000  }
0x27: {  	[tilespmem:s2], [sflag:$0x1] =	stream.linear.gather [hbm4b:s12+s2], $0x8000, $0x38;
	[tilespmem:$0x8000] =	vst v63  }
0x28: {  	_ =	swait.ge [sflag:s3], $0x8000  }
0x29: {  	[sflag:s3] =	ssyncset.done $0x0  }
0x2a: {  	s13 =	sadd.s32 s20, s13;
	[sflag:s3] =	ssyncadd.s32 $0xFFFF8000  }
0x2b: {  	[hbm4b:s13+s2] =	stream.linear.scatter [tilespmem:s2], [sflag:$0x1], $0x8000, $0x38;
	[tilespmem:$0x8000] =	vst v63  }
0x2c: {  	_ =	swait.ge [sflag:s3], $0x8000  }
0x2d: {  	s15 =	sor.u32 $0x5000, s21;
	[sflag:s3] =	ssyncset.done $0x0  }
0x2e: {  	s14 =	sadd.s32 s18, s15;
	[sflag:s3] =	ssyncadd.s32 $0xFFFF8000  }
0x2f: {  	[tilespmem:s2], [sflag:$0x1] =	stream.linear.gather [hbm4b:s14+s2], $0x8000, $0x38;
	[tilespmem:$0x8000] =	vst v63  }
0x30: {  	_ =	swait.ge [sflag:s3], $0x8000  }
0x31: {  	[sflag:s3] =	ssyncset.done $0x0  }
0x32: {  	s15 =	sadd.s32 s20, s15;
	[sflag:s3] =	ssyncadd.s32 $0xFFFF8000  }
0x33: {  	[hbm4b:s15+s2] =	stream.linear.scatter [tilespmem:s2], [sflag:$0x1], $0x8000, $0x38;
	[tilespmem:$0x8000] =	vst v63  }
0x34: {  	_ =	swait.ge [sflag:s3], $0x8000  }
0x35: {  	s17 =	sor.u32 $0x6000, s21;
	[sflag:s3] =	ssyncset.done $0x0  }
0x36: {  	s16 =	sadd.s32 s18, s17;
	[sflag:s3] =	ssyncadd.s32 $0xFFFF8000  }
0x37: {  	[tilespmem:s2], [sflag:$0x1] =	stream.linear.gather [hbm4b:s16+s2], $0x8000, $0x38;
	[tilespmem:$0x8000] =	vst v63  }
0x38: {  	_ =	swait.ge [sflag:s3], $0x8000  }
0x39: {  	[sflag:s3] =	ssyncset.done $0x0  }
0x3a: {  	s19 =	ssub.s32 $0x2, s19;
	s17 =	sadd.s32 s20, s17;
	[sflag:s3] =	ssyncadd.s32 $0xFFFF8000  }
0x3b: {  	[hbm4b:s17+s2] =	stream.linear.scatter [tilespmem:s2], [sflag:$0x1], $0x8000, $0x38;
	[tilespmem:$0x8000] =	vst v63  }
0x3c: {  	s22 =	sshrl.u32 s19, $0x1;
	_ =	swait.ge [sflag:s3], $0x8000  }
0x3d: {  	s21 =	sor.u32 $0x7000, s21;
	s22 =	ssub.s32 s19, s22;
	[sflag:s3] =	ssyncset.done $0x0  }
0x3e: {  	s18 =	sadd.s32 s18, s21;
	s31 =	smax.u32 s22, $0x1;
	[sflag:s3] =	ssyncadd.s32 $0xFFFF8000  }
0x3f: {  	[tilespmem:s2], [sflag:$0x1] =	stream.linear.gather [hbm4b:s18+s2], $0x8000, $0x38;
	[tilespmem:$0x8000] =	vst v63  }
0x40: {  	p0 =	sne.s32 s31, $0x1;
	_ =	swait.ge [sflag:s3], $0x8000  }
.Ltmp0:
0x41: {  	[sflag:s3] =	ssyncset.done $0x0;
	(pc) =	sbr.rel @!p0 .LBB2_2-.Ltmp0, $4  }
0x42: {  	s19 =	sadd.s32 s20, s21;
	[sflag:s3] =	ssyncadd.s32 $0xFFFF8000  }
0x43: {  	[hbm4b:s19+s2] =	stream.linear.scatter [tilespmem:s2], [sflag:$0x1], $0x8000, $0x38;
	[tilespmem:$0x8000] =	vst v63  }
0x44: {  	_ =	swait.ge [sflag:s3], $0x8000  }
0x45: {  	s20 =	sadd.s32 $0xFFFFFFFF, s31;
	[sflag:s3] =	ssyncset.done $0x0  }
.LBB2_1:
0x46: {  	p0 =	sne.s32 s20, $0x1;
	s20 =	sadd.s32 $0xFFFFFFFF, s20;
	[sflag:s3] =	ssyncadd.s32 $0xFFFF8000  }
0x47: {  	[tilespmem:s2], [sflag:$0x1] =	stream.linear.gather [hbm4b:s4+s2], $0x8000, $0x38;
	[tilespmem:$0x8000] =	vst v63  }
0x48: {  	_ =	swait.ge [sflag:s3], $0x8000  }
0x49: {  	[sflag:s3] =	ssyncset.done $0x0  }
0x4a: {  	[sflag:s3] =	ssyncadd.s32 $0xFFFF8000  }
0x4b: {  	[hbm4b:s5+s2] =	stream.linear.scatter [tilespmem:s2], [sflag:$0x1], $0x8000, $0x38;
	[tilespmem:$0x8000] =	vst v63  }
0x4c: {  	_ =	swait.ge [sflag:s3], $0x8000  }
0x4d: {  	[sflag:s3] =	ssyncset.done $0x0  }
0x4e: {  	[sflag:s3] =	ssyncadd.s32 $0xFFFF8000  }
0x4f: {  	[tilespmem:s2], [sflag:$0x1] =	stream.linear.gather [hbm4b:s6+s2], $0x8000, $0x38;
	[tilespmem:$0x8000] =	vst v63  }
0x50: {  	_ =	swait.ge [sflag:s3], $0x8000  }
0x51: {  	[sflag:s3] =	ssyncset.done $0x0  }
0x52: {  	[sflag:s3] =	ssyncadd.s32 $0xFFFF8000  }
0x53: {  	[hbm4b:s7+s2] =	stream.linear.scatter [tilespmem:s2], [sflag:$0x1], $0x8000, $0x38;
	[tilespmem:$0x8000] =	vst v63  }
0x54: {  	_ =	swait.ge [sflag:s3], $0x8000  }
0x55: {  	[sflag:s3] =	ssyncset.done $0x0  }
0x56: {  	[sflag:s3] =	ssyncadd.s32 $0xFFFF8000  }
0x57: {  	[tilespmem:s2], [sflag:$0x1] =	stream.linear.gather [hbm4b:s8+s2], $0x8000, $0x38;
	[tilespmem:$0x8000] =	vst v63  }
0x58: {  	_ =	swait.ge [sflag:s3], $0x8000  }
0x59: {  	[sflag:s3] =	ssyncset.done $0x0  }
0x5a: {  	[sflag:s3] =	ssyncadd.s32 $0xFFFF8000  }
0x5b: {  	[hbm4b:s9+s2] =	stream.linear.scatter [tilespmem:s2], [sflag:$0x1], $0x8000, $0x38;
	[tilespmem:$0x8000] =	vst v63  }
0x5c: {  	_ =	swait.ge [sflag:s3], $0x8000  }
0x5d: {  	[sflag:s3] =	ssyncset.done $0x0  }
0x5e: {  	[sflag:s3] =	ssyncadd.s32 $0xFFFF8000  }
0x5f: {  	[tilespmem:s2], [sflag:$0x1] =	stream.linear.gather [hbm4b:s10+s2], $0x8000, $0x38;
	[tilespmem:$0x8000] =	vst v63  }
0x60: {  	_ =	swait.ge [sflag:s3], $0x8000  }
0x61: {  	[sflag:s3] =	ssyncset.done $0x0  }
0x62: {  	[sflag:s3] =	ssyncadd.s32 $0xFFFF8000  }
0x63: {  	[hbm4b:s11+s2] =	stream.linear.scatter [tilespmem:s2], [sflag:$0x1], $0x8000, $0x38;
	[tilespmem:$0x8000] =	vst v63  }
0x64: {  	_ =	swait.ge [sflag:s3], $0x8000  }
0x65: {  	[sflag:s3] =	ssyncset.done $0x0  }
0x66: {  	[sflag:s3] =	ssyncadd.s32 $0xFFFF8000  }
0x67: {  	[tilespmem:s2], [sflag:$0x1] =	stream.linear.gather [hbm4b:s12+s2], $0x8000, $0x38;
	[tilespmem:$0x8000] =	vst v63  }
0x68: {  	_ =	swait.ge [sflag:s3], $0x8000  }
0x69: {  	[sflag:s3] =	ssyncset.done $0x0  }
0x6a: {  	[sflag:s3] =	ssyncadd.s32 $0xFFFF8000  }
0x6b: {  	[hbm4b:s13+s2] =	stream.linear.scatter [tilespmem:s2], [sflag:$0x1], $0x8000, $0x38;
	[tilespmem:$0x8000] =	vst v63  }
0x6c: {  	_ =	swait.ge [sflag:s3], $0x8000  }
0x6d: {  	[sflag:s3] =	ssyncset.done $0x0  }
0x6e: {  	[sflag:s3] =	ssyncadd.s32 $0xFFFF8000  }
0x6f: {  	[tilespmem:s2], [sflag:$0x1] =	stream.linear.gather [hbm4b:s14+s2], $0x8000, $0x38;
	[tilespmem:$0x8000] =	vst v63  }
0x70: {  	_ =	swait.ge [sflag:s3], $0x8000  }
0x71: {  	[sflag:s3] =	ssyncset.done $0x0  }
0x72: {  	[sflag:s3] =	ssyncadd.s32 $0xFFFF8000  }
0x73: {  	[hbm4b:s15+s2] =	stream.linear.scatter [tilespmem:s2], [sflag:$0x1], $0x8000, $0x38;
	[tilespmem:$0x8000] =	vst v63  }
0x74: {  	_ =	swait.ge [sflag:s3], $0x8000  }
0x75: {  	[sflag:s3] =	ssyncset.done $0x0  }
0x76: {  	[sflag:s3] =	ssyncadd.s32 $0xFFFF8000  }
0x77: {  	[tilespmem:s2], [sflag:$0x1] =	stream.linear.gather [hbm4b:s16+s2], $0x8000, $0x38;
	[tilespmem:$0x8000] =	vst v63  }
0x78: {  	_ =	swait.ge [sflag:s3], $0x8000  }
0x79: {  	[sflag:s3] =	ssyncset.done $0x0  }
0x7a: {  	[sflag:s3] =	ssyncadd.s32 $0xFFFF8000  }
0x7b: {  	[hbm4b:s17+s2] =	stream.linear.scatter [tilespmem:s2], [sflag:$0x1], $0x8000, $0x38;
	[tilespmem:$0x8000] =	vst v63  }
0x7c: {  	_ =	swait.ge [sflag:s3], $0x8000  }
0x7d: {  	[sflag:s3] =	ssyncset.done $0x0  }
0x7e: {  	[sflag:s3] =	ssyncadd.s32 $0xFFFF8000  }
0x7f: {  	[tilespmem:s2], [sflag:$0x1] =	stream.linear.gather [hbm4b:s18+s2], $0x8000, $0x38;
	[tilespmem:$0x8000] =	vst v63  }
0x80: {  	_ =	swait.ge [sflag:s3], $0x8000  }
.Ltmp1:
0x81: {  	[sflag:s3] =	ssyncset.done $0x0;
	(pc) =	sbr.rel @p0 .LBB2_1-.Ltmp1, $4  }
0x82: {  	[sflag:s3] =	ssyncadd.s32 $0xFFFF8000  }
0x83: {  	[hbm4b:s19+s2] =	stream.linear.scatter [tilespmem:s2], [sflag:$0x1], $0x8000, $0x38;
	[tilespmem:$0x8000] =	vst v63  }
0x84: {  	_ =	swait.ge [sflag:s3], $0x8000  }
0x85: {  	[sflag:s3] =	ssyncset.done $0x0  }
.LBB2_2:
0x86: {  	[sflag:s3] =	ssyncadd.s32 $0xFFFF8000  }
0x87: {  	_ =	sfence.sel $0x180000  }
0x88: {  	[bflag:$0x0] =	sbarrier.arrive $0xFFFF  }
0x89: {  	p0 =	sne.s32 s1, $0x0;
	_ =	strace $0x90000047  }
0x8a: {  	s0 =	sadd.s32 @!p0 $0x100000, s0;
	[bflag:$0x2] =	sbarrier.arrive $0xFFFF  }
0x8b: {  	[sflag:s0] =	ssyncadd.tile.s32 @!p0 $0x1;
	_ =	shalt  }
.Lfunc_end2:
_tile_overlayer_lowered:
.L_overlay_start_2:
0x8c: {  	(tag) =	ssettag $0x2  }
0x8d: {  	s0 =	rddreg [dreg:$0x0];
	s2 =	stileid.u32  }
0x8e: {  	s1 =	rddreg [dreg:$0x1];
	p0 =	sne.s32 s2, $0x0  }
0x8f: {  	s3 =	rddreg [dreg:$0x2];
	[bflag:$0x3] =	sbarrier.arrive $0xFFFF;
	s2 =	simm.s32 @!p0 $0x1C01  }
0x90: {  	[timem:s3], [sflag:s2] =	dma.local @!p0 [hbm:s0], s1  }
0x91: {  	s0 =	simm.s32 @!p0 $0x1  }
0x92: {  	_ =	swait.ge @!p0 [sflag:s0], s1  }
0x93: {  	s1 =	ssub.s32 @!p0 $0x0, s1;
	[sflag:s0] =	ssyncset.done @!p0 $0x0  }
0x94: {  	[sflag:s0] =	ssyncadd.s32 @!p0 s1  }
0x95: {  	[bflag:$0x3] =	sbarrier.arrive $0xFFFF  }
0x96: {  	_ =	shalt  }

</sc_bundles>
